<compile_context>
chip_gen: v7x
topology: tpu7x:2x2x1
jax: 0.10.2.dev20260603
libtpu: 0.0.44.dev20260713+nightly
codegen_flags: <defaults>
</compile_context>

<pallas_src>
import dataclasses
import functools

import jax
import jax.numpy as jnp
from jax import lax
from jax.experimental import pallas as pl
from jax.experimental.pallas import tpu as pltpu
from jax.experimental.pallas import tpu_sc as plsc

_N_ATOMS = 6400000
_N_MOLS = 50000

_NC = 2
_NS = 16
_NW = _NC * _NS
_LANES = 16
_ATOMS_PER_W = _N_ATOMS // _NW
_WINDOW = 4000
_N_WIN = _ATOMS_PER_W // _WINDOW
_UNROLL = 10


def _sc_compiler_params():
    cp = pltpu.CompilerParams()
    if "needs_layout_passes" in pltpu.CompilerParams.__dataclass_fields__:
        cp = dataclasses.replace(cp, needs_layout_passes=False)
    return cp


def _sc_partial_sums(energy, mol_idx):
    mesh = plsc.VectorSubcoreMesh(core_axis_name="c", subcore_axis_name="s")

    @functools.partial(
        pl.kernel,
        mesh=mesh,
        compiler_params=_sc_compiler_params(),
        out_type=jax.ShapeDtypeStruct((_NW, _N_MOLS), jnp.float32),
        scratch_types=[
            pltpu.VMEM((_N_MOLS,), jnp.float32),
            pltpu.VMEM((_WINDOW + _LANES,), jnp.float32),
            pltpu.VMEM((_WINDOW + _LANES,), jnp.float32),
            pltpu.VMEM((_WINDOW + _LANES,), jnp.int32),
            pltpu.VMEM((_WINDOW + _LANES,), jnp.int32),
            pltpu.SemaphoreType.DMA,
            pltpu.SemaphoreType.DMA,
            pltpu.SemaphoreType.DMA,
            pltpu.SemaphoreType.DMA,
        ],
    )
    def sumpool_kernel(energy_hbm, idx_hbm, out_hbm, acc, vbuf0, vbuf1,
                       ibuf0, ibuf1, sv0, sv1, si0, si1):
        wid = lax.axis_index("s") * _NC + lax.axis_index("c")
        base = wid * _ATOMS_PER_W
        sems_v = (sv0, sv1)
        sems_i = (si0, si1)
        vbufs = (vbuf0, vbuf1)
        ibufs = (ibuf0, ibuf1)
        lane = lax.iota(jnp.int32, _LANES)
        is_last = lane == (_LANES - 1)
        shift = jnp.minimum(lane + 1, _LANES - 1)

        def start_copy(w, slot):
            off = base + w * _WINDOW
            cv = pltpu.async_copy(
                energy_hbm.at[pl.ds(off, _WINDOW)],
                vbufs[slot].at[pl.ds(0, _WINDOW)], sems_v[slot])
            ci = pltpu.async_copy(
                idx_hbm.at[pl.ds(off, _WINDOW)],
                ibufs[slot].at[pl.ds(0, _WINDOW)], sems_i[slot])
            return cv, ci

        def wait_copy(w, slot):
            off = base + w * _WINDOW
            pltpu.make_async_copy(
                energy_hbm.at[pl.ds(off, _WINDOW)],
                vbufs[slot].at[pl.ds(0, _WINDOW)], sems_v[slot]).wait()
            pltpu.make_async_copy(
                idx_hbm.at[pl.ds(off, _WINDOW)],
                ibufs[slot].at[pl.ds(0, _WINDOW)], sems_i[slot]).wait()

        def process(slot):
            ib, vb = ibufs[slot], vbufs[slot]

            @plsc.parallel_loop(0, _WINDOW, step=_LANES, unroll=_UNROLL)
            def _(o):
                i = ib[pl.ds(o, _LANES)]
                v = vb[pl.ds(o, _LANES)]
                iup = lax.gather(
                    i, shift[:, None],
                    lax.GatherDimensionNumbers(
                        offset_dims=(), collapsed_slice_dims=(0,),
                        start_index_map=(0,)),
                    slice_sizes=(1,),
                    mode=lax.GatherScatterMode.PROMISE_IN_BOUNDS)
                c = jnp.cumsum(v)
                d = i != iup
                plsc.addupdate_scatter(acc, [i], c, mask=d | is_last)
                plsc.addupdate_scatter(acc, [iup], -c, mask=d)

        start_copy(0, 0)

        @plsc.parallel_loop(0, _N_MOLS, step=_LANES, unroll=8)
        def _(o):
            acc[pl.ds(o, _LANES)] = jnp.zeros((_LANES,), jnp.float32)

        start_copy(1, 1)

        @pl.loop(0, _N_WIN, step=2)
        def _(w):
            for p in (0, 1):
                wait_copy(w + p, p)
                process(p)

                @pl.when(w + p + 2 < _N_WIN)
                def _(p=p):
                    start_copy(w + p + 2, p)

        pltpu.sync_copy(acc, out_hbm.at[wid])

    return sumpool_kernel(energy, mol_idx)


def _tc_combine(partials):
    def body(p_ref, o_ref):
        o_ref[...] = jnp.sum(p_ref[...], axis=0)

    return pl.pallas_call(
        body,
        out_shape=jax.ShapeDtypeStruct((_N_MOLS,), jnp.float32),
    )(partials)


def kernel(energy, xyz, mol_idx):
    del xyz
    partials = _sc_partial_sums(energy, mol_idx.astype(jnp.int32))
    return _tc_combine(partials)

# --- scband reference (transcript-rebuilt; emitter-appended) ---
"""Pipeline reference for scband-sum-pool-64123861729596 (READ-ONLY COPY).

The authoritative reference and input builder live on the scoring server;
editing this copy changes nothing except your own understanding.
"""

import jax, jax.numpy as jnp
import numpy as np

N_ATOMS = 6400000
N_MOLS = 50000

def setup_inputs(seed: int = 0) -> dict:
    key = jax.random.key(seed)
    k1, k2, k3 = jax.random.split(key, 3)
    energy = jax.random.normal(k1, (N_ATOMS,), dtype=jnp.float32)
    xyz = jax.random.normal(k2, (N_ATOMS, 3), dtype=jnp.float32)
    mol_idx = jnp.sort(jax.random.randint(k3, (N_ATOMS,), 0, N_MOLS))
    return {"energy": energy, "xyz": xyz, "mol_idx": mol_idx}

def reference(energy, xyz, mol_idx):
    # SumPool.forward with batch={'num_atoms': per-mol counts implied by mol_idx},
    # atomwise_output={'energy': energy}, grad_keys=[], out_keys=None, mean=False.
    # sum_and_grad builds mol_idx = arange(n_mols).repeat_interleave(num_atoms)
    # (equivalent to the sorted segment ids supplied here), then does
    # global_sum_pool = scatter-add of per-atom scalars into per-molecule sums.
    use_val = energy.reshape(-1)  # val.reshape(-1).shape[0] == mol_idx.shape[0] branch
    dim_size = N_MOLS  # batch.max() + 1
    pooled = jax.ops.segment_sum(use_val, mol_idx, num_segments=dim_size)
    # grad_keys is empty -> no compute_grad pass; xyz participates only via autograd
    # in the original pipeline, unused in pure pooling forward.
    return pooled

if __name__ == "__main__":
    import jax
    _d = setup_inputs()
    print(jax.jit(kernel)(*tuple(_d.values())))

</pallas_src>

<mosaic_0001>
#map = affine_map<(d0, d1) -> (0)>
#map1 = affine_map<(d0, d1) -> (0, 0)>
module attributes {stable_mosaic.version = 14 : i64} {
  func.func @sumpool_kernel(%arg0: i32, %arg1: i32, %arg2: memref<6400000xf32, #tpu.memory_space<hbm>>, %arg3: memref<6400000xi32, #tpu.memory_space<hbm>>, %arg4: memref<32x50000xf32, #tpu.memory_space<hbm>>, %arg5: memref<50000xf32, #tpu.memory_space<vmem>>, %arg6: memref<4016xf32, #tpu.memory_space<vmem>>, %arg7: memref<4016xf32, #tpu.memory_space<vmem>>, %arg8: memref<4016xi32, #tpu.memory_space<vmem>>, %arg9: memref<4016xi32, #tpu.memory_space<vmem>>, %arg10: memref<!tpu.dma_semaphore, #tpu.memory_space<semaphore_mem>>, %arg11: memref<!tpu.dma_semaphore, #tpu.memory_space<semaphore_mem>>, %arg12: memref<!tpu.dma_semaphore, #tpu.memory_space<semaphore_mem>>, %arg13: memref<!tpu.dma_semaphore, #tpu.memory_space<semaphore_mem>>) attributes {dimension_semantics = [#tpu.dimension_semantics<core_parallel>, #tpu.dimension_semantics<subcore_parallel>], iteration_bounds = array<i64: 2, 16>, scalar_prefetch = 0 : i64, scratch_operands = 9 : i64, tpu.core_type = #tpu.core_type<sc_vector_subcore>, window_params = [{transform_indices = #map}, {transform_indices = #map}, {transform_indices = #map1}]} {
    %mul3A = arith.constant 2 : i32
    %mul3A_0 = arith.muli %arg1, %mul3A : i32
    %add3A = arith.addi %mul3A_0, %arg0 : i32
    %mul3A_1 = arith.constant 200000 : i32
    %mul3A_2 = arith.muli %add3A, %mul3A_1 : i32
    %iota3A = tpu.iota {dimensions = array<i32: 0>} : vector<16xi32>
    %eq3A = arith.constant 15 : i32
    %eq3A_3 = vector.broadcast %eq3A : i32 to vector<16xi32>
    %eq3A_4 = arith.cmpi eq, %iota3A, %eq3A_3 : vector<16xi32>
    %add3A_5 = arith.constant 1 : i32
    %add3A_6 = vector.broadcast %add3A_5 : i32 to vector<16xi32>
    %add3A_7 = arith.addi %iota3A, %add3A_6 : vector<16xi32>
    %min3A = arith.constant 15 : i32
    %min3A_8 = vector.broadcast %min3A : i32 to vector<16xi32>
    %min3A_9 = arith.minsi %add3A_7, %min3A_8 : vector<16xi32>
    %add3A_10 = arith.constant 0 : i32
    %add3A_11 = arith.addi %mul3A_2, %add3A_10 : i32
    %dma_start3A = arith.constant 0 : i32
    %dma_start3A_12 = tpu.memref_slice %arg6[%dma_start3A] : memref<4016xf32, #tpu.memory_space<vmem>> -> memref<4000xf32, #tpu.memory_space<vmem>>
    %dma_start3A_13 = tpu.memref_slice %arg2[%add3A_11] : memref<6400000xf32, #tpu.memory_space<hbm>> -> memref<4000xf32, #tpu.memory_space<hbm>>
    %dma_start3A_14 = arith.constant 0 : i32
    %dma_start3A_15 = tpu.memref_slice %arg6[%dma_start3A_14] : memref<4016xf32, #tpu.memory_space<vmem>> -> memref<4000xf32, #tpu.memory_space<vmem>>
    %dma_start3A_16 = tpu.memref_slice %arg2[%add3A_11] : memref<6400000xf32, #tpu.memory_space<hbm>> -> memref<4000xf32, #tpu.memory_space<hbm>>
    tpu.enqueue_dma source(%dma_start3A_16 : memref<4000xf32, #tpu.memory_space<hbm>>) target(%dma_start3A_15 : memref<4000xf32, #tpu.memory_space<vmem>>) target_semaphore(%arg10 : memref<!tpu.dma_semaphore, #tpu.memory_space<semaphore_mem>>)
    %dma_start3A_17 = arith.constant 0 : i32
    %dma_start3A_18 = tpu.memref_slice %arg8[%dma_start3A_17] : memref<4016xi32, #tpu.memory_space<vmem>> -> memref<4000xi32, #tpu.memory_space<vmem>>
    %dma_start3A_19 = tpu.memref_slice %arg3[%add3A_11] : memref<6400000xi32, #tpu.memory_space<hbm>> -> memref<4000xi32, #tpu.memory_space<hbm>>
    %dma_start3A_20 = arith.constant 0 : i32
    %dma_start3A_21 = tpu.memref_slice %arg8[%dma_start3A_20] : memref<4016xi32, #tpu.memory_space<vmem>> -> memref<4000xi32, #tpu.memory_space<vmem>>
    %dma_start3A_22 = tpu.memref_slice %arg3[%add3A_11] : memref<6400000xi32, #tpu.memory_space<hbm>> -> memref<4000xi32, #tpu.memory_space<hbm>>
    tpu.enqueue_dma source(%dma_start3A_22 : memref<4000xi32, #tpu.memory_space<hbm>>) target(%dma_start3A_21 : memref<4000xi32, #tpu.memory_space<vmem>>) target_semaphore(%arg12 : memref<!tpu.dma_semaphore, #tpu.memory_space<semaphore_mem>>)
    %parallel_loop3A = arith.constant 0 : i32
    %parallel_loop3A_23 = arith.constant 50000 : i32
    %parallel_loop3A_24 = arith.constant 16 : i32
    scf.for %parallel_loop3A_43 = %parallel_loop3A to %parallel_loop3A_23 step %parallel_loop3A_24  : i32 {
      %parallel_loop3A_44 = arith.constant 0.000000e+00 : f32
      %parallel_loop3A_45 = vector.broadcast %parallel_loop3A_44 : f32 to vector<16xf32>
      %parallel_loop3A_46 = arith.index_cast %parallel_loop3A_43 : i32 to index
      %parallel_loop3A_47 = tpu.vector_load %arg5[%parallel_loop3A_46] {strides = array<i32>} : memref<50000xf32, #tpu.memory_space<vmem>>, vector<16xf32>,
      tpu.vector_store %arg5[%parallel_loop3A_46], %parallel_loop3A_45 {strides = array<i32>} : memref<50000xf32, #tpu.memory_space<vmem>>, vector<16xf32>,
    } {sc.loop_unroll_factor = 8 : i64, sc.parallel_access}
    %add3A_25 = arith.constant 4000 : i32
    %add3A_26 = arith.addi %mul3A_2, %add3A_25 : i32
    %dma_start3A_27 = arith.constant 0 : i32
    %dma_start3A_28 = tpu.memref_slice %arg7[%dma_start3A_27] : memref<4016xf32, #tpu.memory_space<vmem>> -> memref<4000xf32, #tpu.memory_space<vmem>>
    %dma_start3A_29 = tpu.memref_slice %arg2[%add3A_26] : memref<6400000xf32, #tpu.memory_space<hbm>> -> memref<4000xf32, #tpu.memory_space<hbm>>
    %dma_start3A_30 = arith.constant 0 : i32
    %dma_start3A_31 = tpu.memref_slice %arg7[%dma_start3A_30] : memref<4016xf32, #tpu.memory_space<vmem>> -> memref<4000xf32, #tpu.memory_space<vmem>>
    %dma_start3A_32 = tpu.memref_slice %arg2[%add3A_26] : memref<6400000xf32, #tpu.memory_space<hbm>> -> memref<4000xf32, #tpu.memory_space<hbm>>
    tpu.enqueue_dma source(%dma_start3A_32 : memref<4000xf32, #tpu.memory_space<hbm>>) target(%dma_start3A_31 : memref<4000xf32, #tpu.memory_space<vmem>>) target_semaphore(%arg11 : memref<!tpu.dma_semaphore, #tpu.memory_space<semaphore_mem>>)
    %dma_start3A_33 = arith.constant 0 : i32
    %dma_start3A_34 = tpu.memref_slice %arg9[%dma_start3A_33] : memref<4016xi32, #tpu.memory_space<vmem>> -> memref<4000xi32, #tpu.memory_space<vmem>>
    %dma_start3A_35 = tpu.memref_slice %arg3[%add3A_26] : memref<6400000xi32, #tpu.memory_space<hbm>> -> memref<4000xi32, #tpu.memory_space<hbm>>
    %dma_start3A_36 = arith.constant 0 : i32
    %dma_start3A_37 = tpu.memref_slice %arg9[%dma_start3A_36] : memref<4016xi32, #tpu.memory_space<vmem>> -> memref<4000xi32, #tpu.memory_space<vmem>>
    %dma_start3A_38 = tpu.memref_slice %arg3[%add3A_26] : memref<6400000xi32, #tpu.memory_space<hbm>> -> memref<4000xi32, #tpu.memory_space<hbm>>
    tpu.enqueue_dma source(%dma_start3A_38 : memref<4000xi32, #tpu.memory_space<hbm>>) target(%dma_start3A_37 : memref<4000xi32, #tpu.memory_space<vmem>>) target_semaphore(%arg13 : memref<!tpu.dma_semaphore, #tpu.memory_space<semaphore_mem>>)
    %scan3A = arith.constant 0 : i32
    %scan3A_39 = arith.constant 25 : i32
    %scan3A_40 = arith.addi %scan3A, %scan3A_39 : i32
    %scan3A_41 = arith.constant 1 : i32
    scf.for %scan3A_43 = %scan3A to %scan3A_40 step %scan3A_41  : i32 {
      %mul3A_44 = arith.constant 2 : i32
      %mul3A_45 = arith.muli %scan3A_43, %mul3A_44 : i32
      %add3A_46 = arith.constant 0 : i32
      %add3A_47 = arith.addi %add3A_46, %mul3A_45 : i32
      %add3A_48 = arith.constant 0 : i32
      %add3A_49 = arith.addi %add3A_47, %add3A_48 : i32
      %mul3A_50 = arith.constant 4000 : i32
      %mul3A_51 = arith.muli %add3A_49, %mul3A_50 : i32
      %add3A_52 = arith.addi %mul3A_2, %mul3A_51 : i32
      %dma_wait3A = arith.constant 0 : i32
      %dma_wait3A_53 = tpu.memref_slice %arg6[%dma_wait3A] : memref<4016xf32, #tpu.memory_space<vmem>> -> memref<4000xf32, #tpu.memory_space<vmem>>
      %dma_wait3A_54 = tpu.memref_slice %arg2[%add3A_52] : memref<6400000xf32, #tpu.memory_space<hbm>> -> memref<4000xf32, #tpu.memory_space<hbm>>
      %dma_wait3A_55 = arith.constant 0 : i32
      %dma_wait3A_56 = tpu.memref_slice %arg6[%dma_wait3A_55] : memref<4016xf32, #tpu.memory_space<vmem>> -> memref<4000xf32, #tpu.memory_space<vmem>>
      %dma_wait3A_57 = tpu.memref_slice %arg2[%add3A_52] : memref<6400000xf32, #tpu.memory_space<hbm>> -> memref<4000xf32, #tpu.memory_space<hbm>>
      tpu.wait_dma2 semaphore(%arg10 : memref<!tpu.dma_semaphore, #tpu.memory_space<semaphore_mem>>) src(%dma_wait3A_57 : memref<4000xf32, #tpu.memory_space<hbm>>) dst(%dma_wait3A_56 : memref<4000xf32, #tpu.memory_space<vmem>>)
      %dma_wait3A_58 = arith.constant 0 : i32
      %dma_wait3A_59 = tpu.memref_slice %arg8[%dma_wait3A_58] : memref<4016xi32, #tpu.memory_space<vmem>> -> memref<4000xi32, #tpu.memory_space<vmem>>
      %dma_wait3A_60 = tpu.memref_slice %arg3[%add3A_52] : memref<6400000xi32, #tpu.memory_space<hbm>> -> memref<4000xi32, #tpu.memory_space<hbm>>
      %dma_wait3A_61 = arith.constant 0 : i32
      %dma_wait3A_62 = tpu.memref_slice %arg8[%dma_wait3A_61] : memref<4016xi32, #tpu.memory_space<vmem>> -> memref<4000xi32, #tpu.memory_space<vmem>>
      %dma_wait3A_63 = tpu.memref_slice %arg3[%add3A_52] : memref<6400000xi32, #tpu.memory_space<hbm>> -> memref<4000xi32, #tpu.memory_space<hbm>>
      tpu.wait_dma2 semaphore(%arg12 : memref<!tpu.dma_semaphore, #tpu.memory_space<semaphore_mem>>) src(%dma_wait3A_63 : memref<4000xi32, #tpu.memory_space<hbm>>) dst(%dma_wait3A_62 : memref<4000xi32, #tpu.memory_space<vmem>>)
      %parallel_loop3A_64 = arith.constant 0 : i32
      %parallel_loop3A_65 = arith.constant 4000 : i32
      %parallel_loop3A_66 = arith.constant 16 : i32
      scf.for %parallel_loop3A_102 = %parallel_loop3A_64 to %parallel_loop3A_65 step %parallel_loop3A_66  : i32 {
        %parallel_loop3A_103 = arith.index_cast %parallel_loop3A_102 : i32 to index
        %parallel_loop3A_104 = tpu.vector_load %arg8[%parallel_loop3A_103] {strides = array<i32>} : memref<4016xi32, #tpu.memory_space<vmem>>, vector<16xi32>,
        %parallel_loop3A_105 = arith.index_cast %parallel_loop3A_102 : i32 to index
        %parallel_loop3A_106 = tpu.vector_load %arg6[%parallel_loop3A_105] {strides = array<i32>} : memref<4016xf32, #tpu.memory_space<vmem>>, vector<16xf32>,
        %parallel_loop3A_107 = vector.shape_cast %min3A_9 : vector<16xi32> to vector<16x1xi32>
        %parallel_loop3A_108 = vector.shape_cast %parallel_loop3A_107 : vector<16x1xi32> to vector<16xi32>
        %parallel_loop3A_109 = tpu.dynamic_gather %parallel_loop3A_104[%parallel_loop3A_108] in [0] : vector<16xi32>, vector<16xi32> -> vector<16xi32>
        %parallel_loop3A_110 = arith.constant true
        %parallel_loop3A_111 = vector.broadcast %parallel_loop3A_110 : i1 to vector<16xi1>
        %parallel_loop3A_112 = tpu.scan <sum>, %parallel_loop3A_106 masked %parallel_loop3A_111 : vector<16xf32>, vector<16xi1> -> vector<16xf32>
        %parallel_loop3A_113 = arith.cmpi ne, %parallel_loop3A_104, %parallel_loop3A_109 : vector<16xi32>
        %parallel_loop3A_114 = arith.ori %parallel_loop3A_113, %eq3A_4 : vector<16xi1>
        tpu.vector_store_idx %arg5[%parallel_loop3A_104], %parallel_loop3A_112 masked %parallel_loop3A_114 {add = true} : memref<50000xf32, #tpu.memory_space<vmem>>[vector<16xi32>], vector<16xf32>, vector<16xi1>
        %parallel_loop3A_115 = arith.constant 0.000000e+00 : f32
        %parallel_loop3A_116 = vector.broadcast %parallel_loop3A_115 : f32 to vector<16xf32>
        %parallel_loop3A_117 = arith.subf %parallel_loop3A_116, %parallel_loop3A_112 : vector<16xf32>
        tpu.vector_store_idx %arg5[%parallel_loop3A_109], %parallel_loop3A_117 masked %parallel_loop3A_113 {add = true} : memref<50000xf32, #tpu.memory_space<vmem>>[vector<16xi32>], vector<16xf32>, vector<16xi1>
      } {sc.loop_unroll_factor = 10 : i64, sc.parallel_access}
      %add3A_67 = arith.constant 0 : i32
      %add3A_68 = arith.addi %add3A_47, %add3A_67 : i32
      %add3A_69 = arith.constant 2 : i32
      %add3A_70 = arith.addi %add3A_68, %add3A_69 : i32
      %lt3A = arith.constant 50 : i32
      %lt3A_71 = arith.cmpi slt, %add3A_70, %lt3A : i32
      %convert_element_type3A = arith.extui %lt3A_71 : i1 to i32
      %cond3A = arith.constant 0 : i32
      %cond3A_72 = arith.cmpi ne, %convert_element_type3A, %cond3A : i32
      scf.if %cond3A_72 {
        %add3A_102 = arith.constant 0 : i32
        %add3A_103 = arith.addi %add3A_47, %add3A_102 : i32
        %add3A_104 = arith.constant 2 : i32
        %add3A_105 = arith.addi %add3A_103, %add3A_104 : i32
        %mul3A_106 = arith.constant 4000 : i32
        %mul3A_107 = arith.muli %add3A_105, %mul3A_106 : i32
        %add3A_108 = arith.addi %mul3A_2, %mul3A_107 : i32
        %dma_start3A_109 = arith.constant 0 : i32
        %dma_start3A_110 = tpu.memref_slice %arg6[%dma_start3A_109] : memref<4016xf32, #tpu.memory_space<vmem>> -> memref<4000xf32, #tpu.memory_space<vmem>>
        %dma_start3A_111 = tpu.memref_slice %arg2[%add3A_108] : memref<6400000xf32, #tpu.memory_space<hbm>> -> memref<4000xf32, #tpu.memory_space<hbm>>
        %dma_start3A_112 = arith.constant 0 : i32
        %dma_start3A_113 = tpu.memref_slice %arg6[%dma_start3A_112] : memref<4016xf32, #tpu.memory_space<vmem>> -> memref<4000xf32, #tpu.memory_space<vmem>>
        %dma_start3A_114 = tpu.memref_slice %arg2[%add3A_108] : memref<6400000xf32, #tpu.memory_space<hbm>> -> memref<4000xf32, #tpu.memory_space<hbm>>
        tpu.enqueue_dma source(%dma_start3A_114 : memref<4000xf32, #tpu.memory_space<hbm>>) target(%dma_start3A_113 : memref<4000xf32, #tpu.memory_space<vmem>>) target_semaphore(%arg10 : memref<!tpu.dma_semaphore, #tpu.memory_space<semaphore_mem>>)
        %dma_start3A_115 = arith.constant 0 : i32
        %dma_start3A_116 = tpu.memref_slice %arg8[%dma_start3A_115] : memref<4016xi32, #tpu.memory_space<vmem>> -> memref<4000xi32, #tpu.memory_space<vmem>>
        %dma_start3A_117 = tpu.memref_slice %arg3[%add3A_108] : memref<6400000xi32, #tpu.memory_space<hbm>> -> memref<4000xi32, #tpu.memory_space<hbm>>
        %dma_start3A_118 = arith.constant 0 : i32
        %dma_start3A_119 = tpu.memref_slice %arg8[%dma_start3A_118] : memref<4016xi32, #tpu.memory_space<vmem>> -> memref<4000xi32, #tpu.memory_space<vmem>>
        %dma_start3A_120 = tpu.memref_slice %arg3[%add3A_108] : memref<6400000xi32, #tpu.memory_space<hbm>> -> memref<4000xi32, #tpu.memory_space<hbm>>
        tpu.enqueue_dma source(%dma_start3A_120 : memref<4000xi32, #tpu.memory_space<hbm>>) target(%dma_start3A_119 : memref<4000xi32, #tpu.memory_space<vmem>>) target_semaphore(%arg12 : memref<!tpu.dma_semaphore, #tpu.memory_space<semaphore_mem>>)
      } else {
      }
      %add3A_73 = arith.constant 1 : i32
      %add3A_74 = arith.addi %add3A_47, %add3A_73 : i32
      %mul3A_75 = arith.constant 4000 : i32
      %mul3A_76 = arith.muli %add3A_74, %mul3A_75 : i32
      %add3A_77 = arith.addi %mul3A_2, %mul3A_76 : i32
      %dma_wait3A_78 = arith.constant 0 : i32
      %dma_wait3A_79 = tpu.memref_slice %arg7[%dma_wait3A_78] : memref<4016xf32, #tpu.memory_space<vmem>> -> memref<4000xf32, #tpu.memory_space<vmem>>
      %dma_wait3A_80 = tpu.memref_slice %arg2[%add3A_77] : memref<6400000xf32, #tpu.memory_space<hbm>> -> memref<4000xf32, #tpu.memory_space<hbm>>
      %dma_wait3A_81 = arith.constant 0 : i32
      %dma_wait3A_82 = tpu.memref_slice %arg7[%dma_wait3A_81] : memref<4016xf32, #tpu.memory_space<vmem>> -> memref<4000xf32, #tpu.memory_space<vmem>>
      %dma_wait3A_83 = tpu.memref_slice %arg2[%add3A_77] : memref<6400000xf32, #tpu.memory_space<hbm>> -> memref<4000xf32, #tpu.memory_space<hbm>>
      tpu.wait_dma2 semaphore(%arg11 : memref<!tpu.dma_semaphore, #tpu.memory_space<semaphore_mem>>) src(%dma_wait3A_83 : memref<4000xf32, #tpu.memory_space<hbm>>) dst(%dma_wait3A_82 : memref<4000xf32, #tpu.memory_space<vmem>>)
      %dma_wait3A_84 = arith.constant 0 : i32
      %dma_wait3A_85 = tpu.memref_slice %arg9[%dma_wait3A_84] : memref<4016xi32, #tpu.memory_space<vmem>> -> memref<4000xi32, #tpu.memory_space<vmem>>
      %dma_wait3A_86 = tpu.memref_slice %arg3[%add3A_77] : memref<6400000xi32, #tpu.memory_space<hbm>> -> memref<4000xi32, #tpu.memory_space<hbm>>
      %dma_wait3A_87 = arith.constant 0 : i32
      %dma_wait3A_88 = tpu.memref_slice %arg9[%dma_wait3A_87] : memref<4016xi32, #tpu.memory_space<vmem>> -> memref<4000xi32, #tpu.memory_space<vmem>>
      %dma_wait3A_89 = tpu.memref_slice %arg3[%add3A_77] : memref<6400000xi32, #tpu.memory_space<hbm>> -> memref<4000xi32, #tpu.memory_space<hbm>>
      tpu.wait_dma2 semaphore(%arg13 : memref<!tpu.dma_semaphore, #tpu.memory_space<semaphore_mem>>) src(%dma_wait3A_89 : memref<4000xi32, #tpu.memory_space<hbm>>) dst(%dma_wait3A_88 : memref<4000xi32, #tpu.memory_space<vmem>>)
      %parallel_loop3A_90 = arith.constant 0 : i32
      %parallel_loop3A_91 = arith.constant 4000 : i32
      %parallel_loop3A_92 = arith.constant 16 : i32
      scf.for %parallel_loop3A_102 = %parallel_loop3A_90 to %parallel_loop3A_91 step %parallel_loop3A_92  : i32 {
        %parallel_loop3A_103 = arith.index_cast %parallel_loop3A_102 : i32 to index
        %parallel_loop3A_104 = tpu.vector_load %arg9[%parallel_loop3A_103] {strides = array<i32>} : memref<4016xi32, #tpu.memory_space<vmem>>, vector<16xi32>,
        %parallel_loop3A_105 = arith.index_cast %parallel_loop3A_102 : i32 to index
        %parallel_loop3A_106 = tpu.vector_load %arg7[%parallel_loop3A_105] {strides = array<i32>} : memref<4016xf32, #tpu.memory_space<vmem>>, vector<16xf32>,
        %parallel_loop3A_107 = vector.shape_cast %min3A_9 : vector<16xi32> to vector<16x1xi32>
        %parallel_loop3A_108 = vector.shape_cast %parallel_loop3A_107 : vector<16x1xi32> to vector<16xi32>
        %parallel_loop3A_109 = tpu.dynamic_gather %parallel_loop3A_104[%parallel_loop3A_108] in [0] : vector<16xi32>, vector<16xi32> -> vector<16xi32>
        %parallel_loop3A_110 = arith.constant true
        %parallel_loop3A_111 = vector.broadcast %parallel_loop3A_110 : i1 to vector<16xi1>
        %parallel_loop3A_112 = tpu.scan <sum>, %parallel_loop3A_106 masked %parallel_loop3A_111 : vector<16xf32>, vector<16xi1> -> vector<16xf32>
        %parallel_loop3A_113 = arith.cmpi ne, %parallel_loop3A_104, %parallel_loop3A_109 : vector<16xi32>
        %parallel_loop3A_114 = arith.ori %parallel_loop3A_113, %eq3A_4 : vector<16xi1>
        tpu.vector_store_idx %arg5[%parallel_loop3A_104], %parallel_loop3A_112 masked %parallel_loop3A_114 {add = true} : memref<50000xf32, #tpu.memory_space<vmem>>[vector<16xi32>], vector<16xf32>, vector<16xi1>
        %parallel_loop3A_115 = arith.constant 0.000000e+00 : f32
        %parallel_loop3A_116 = vector.broadcast %parallel_loop3A_115 : f32 to vector<16xf32>
        %parallel_loop3A_117 = arith.subf %parallel_loop3A_116, %parallel_loop3A_112 : vector<16xf32>
        tpu.vector_store_idx %arg5[%parallel_loop3A_109], %parallel_loop3A_117 masked %parallel_loop3A_113 {add = true} : memref<50000xf32, #tpu.memory_space<vmem>>[vector<16xi32>], vector<16xf32>, vector<16xi1>
      } {sc.loop_unroll_factor = 10 : i64, sc.parallel_access}
      %add3A_93 = arith.constant 1 : i32
      %add3A_94 = arith.addi %add3A_47, %add3A_93 : i32
      %add3A_95 = arith.constant 2 : i32
      %add3A_96 = arith.addi %add3A_94, %add3A_95 : i32
      %lt3A_97 = arith.constant 50 : i32
      %lt3A_98 = arith.cmpi slt, %add3A_96, %lt3A_97 : i32
      %convert_element_type3A_99 = arith.extui %lt3A_98 : i1 to i32
      %cond3A_100 = arith.constant 0 : i32
      %cond3A_101 = arith.cmpi ne, %convert_element_type3A_99, %cond3A_100 : i32
      scf.if %cond3A_101 {
        %add3A_102 = arith.constant 1 : i32
        %add3A_103 = arith.addi %add3A_47, %add3A_102 : i32
        %add3A_104 = arith.constant 2 : i32
        %add3A_105 = arith.addi %add3A_103, %add3A_104 : i32
        %mul3A_106 = arith.constant 4000 : i32
        %mul3A_107 = arith.muli %add3A_105, %mul3A_106 : i32
        %add3A_108 = arith.addi %mul3A_2, %mul3A_107 : i32
        %dma_start3A_109 = arith.constant 0 : i32
        %dma_start3A_110 = tpu.memref_slice %arg7[%dma_start3A_109] : memref<4016xf32, #tpu.memory_space<vmem>> -> memref<4000xf32, #tpu.memory_space<vmem>>
        %dma_start3A_111 = tpu.memref_slice %arg2[%add3A_108] : memref<6400000xf32, #tpu.memory_space<hbm>> -> memref<4000xf32, #tpu.memory_space<hbm>>
        %dma_start3A_112 = arith.constant 0 : i32
        %dma_start3A_113 = tpu.memref_slice %arg7[%dma_start3A_112] : memref<4016xf32, #tpu.memory_space<vmem>> -> memref<4000xf32, #tpu.memory_space<vmem>>
        %dma_start3A_114 = tpu.memref_slice %arg2[%add3A_108] : memref<6400000xf32, #tpu.memory_space<hbm>> -> memref<4000xf32, #tpu.memory_space<hbm>>
        tpu.enqueue_dma source(%dma_start3A_114 : memref<4000xf32, #tpu.memory_space<hbm>>) target(%dma_start3A_113 : memref<4000xf32, #tpu.memory_space<vmem>>) target_semaphore(%arg11 : memref<!tpu.dma_semaphore, #tpu.memory_space<semaphore_mem>>)
        %dma_start3A_115 = arith.constant 0 : i32
        %dma_start3A_116 = tpu.memref_slice %arg9[%dma_start3A_115] : memref<4016xi32, #tpu.memory_space<vmem>> -> memref<4000xi32, #tpu.memory_space<vmem>>
        %dma_start3A_117 = tpu.memref_slice %arg3[%add3A_108] : memref<6400000xi32, #tpu.memory_space<hbm>> -> memref<4000xi32, #tpu.memory_space<hbm>>
        %dma_start3A_118 = arith.constant 0 : i32
        %dma_start3A_119 = tpu.memref_slice %arg9[%dma_start3A_118] : memref<4016xi32, #tpu.memory_space<vmem>> -> memref<4000xi32, #tpu.memory_space<vmem>>
        %dma_start3A_120 = tpu.memref_slice %arg3[%add3A_108] : memref<6400000xi32, #tpu.memory_space<hbm>> -> memref<4000xi32, #tpu.memory_space<hbm>>
        tpu.enqueue_dma source(%dma_start3A_120 : memref<4000xi32, #tpu.memory_space<hbm>>) target(%dma_start3A_119 : memref<4000xi32, #tpu.memory_space<vmem>>) target_semaphore(%arg13 : memref<!tpu.dma_semaphore, #tpu.memory_space<semaphore_mem>>)
      } else {
      }
    }
    %scan3A_42 = arith.constant 25 : i32
    "tpu.region"() ({
      %run_scoped3A = tpu.sem_alloc : memref<!tpu.dma_semaphore, #tpu.memory_space<semaphore_mem>>
      %dma_start3A_43 = arith.constant 0 : i32
      %dma_start3A_44 = tpu.memref_slice %arg4[%add3A, %dma_start3A_43] : memref<32x50000xf32, #tpu.memory_space<hbm>> -> memref<1x50000xf32, #tpu.memory_space<hbm>>
      %dma_start3A_45 = tpu.memref_squeeze %dma_start3A_44 : memref<1x50000xf32, #tpu.memory_space<hbm>> -> memref<50000xf32, #tpu.memory_space<hbm>>
      %dma_start3A_46 = arith.constant 0 : i32
      %dma_start3A_47 = tpu.memref_slice %arg4[%add3A, %dma_start3A_46] : memref<32x50000xf32, #tpu.memory_space<hbm>> -> memref<1x50000xf32, #tpu.memory_space<hbm>>
      %dma_start3A_48 = tpu.memref_squeeze %dma_start3A_47 : memref<1x50000xf32, #tpu.memory_space<hbm>> -> memref<50000xf32, #tpu.memory_space<hbm>>
      tpu.enqueue_dma source(%arg5 : memref<50000xf32, #tpu.memory_space<vmem>>) target(%dma_start3A_48 : memref<50000xf32, #tpu.memory_space<hbm>>) target_semaphore(%run_scoped3A : memref<!tpu.dma_semaphore, #tpu.memory_space<semaphore_mem>>)
      %dma_wait3A = arith.constant 0 : i32
      %dma_wait3A_49 = tpu.memref_slice %arg4[%add3A, %dma_wait3A] : memref<32x50000xf32, #tpu.memory_space<hbm>> -> memref<1x50000xf32, #tpu.memory_space<hbm>>
      %dma_wait3A_50 = tpu.memref_squeeze %dma_wait3A_49 : memref<1x50000xf32, #tpu.memory_space<hbm>> -> memref<50000xf32, #tpu.memory_space<hbm>>
      %dma_wait3A_51 = arith.constant 0 : i32
      %dma_wait3A_52 = tpu.memref_slice %arg4[%add3A, %dma_wait3A_51] : memref<32x50000xf32, #tpu.memory_space<hbm>> -> memref<1x50000xf32, #tpu.memory_space<hbm>>
      %dma_wait3A_53 = tpu.memref_squeeze %dma_wait3A_52 : memref<1x50000xf32, #tpu.memory_space<hbm>> -> memref<50000xf32, #tpu.memory_space<hbm>>
      tpu.wait_dma2 semaphore(%run_scoped3A : memref<!tpu.dma_semaphore, #tpu.memory_space<semaphore_mem>>) src(%arg5 : memref<50000xf32, #tpu.memory_space<vmem>>) dst(%dma_wait3A_53 : memref<50000xf32, #tpu.memory_space<hbm>>)
      tpu.yield
    }) : () -> ()
    return
  }
}

module attributes {stable_mosaic.version = 14 : i64} {
  func.func @body(%arg0: memref<32x50000xf32, #tpu.memory_space<vmem>>, %arg1: memref<50000xf32, #tpu.memory_space<vmem>>) attributes {dimension_semantics = [], scalar_prefetch = 0 : i64, scratch_operands = 0 : i64, tpu.core_type = #tpu.core_type<tc>} {
    %get3A = arith.constant 0 : index
    %get3A_0 = arith.constant 0 : index
    %get3A_1 = vector.load %arg0[%get3A, %get3A_0] : memref<32x50000xf32, #tpu.memory_space<vmem>>, vector<32x50000xf32>
    %reduce_sum3A = arith.constant dense<0.000000e+00> : vector<50000xf32>
    %reduce_sum3A_2 = vector.multi_reduction <add>, %get3A_1, %reduce_sum3A [0] : vector<32x50000xf32> to vector<50000xf32>
    %swap3A = arith.constant 0 : index
    %swap3A_3 = vector.load %arg1[%swap3A] : memref<50000xf32, #tpu.memory_space<vmem>>, vector<50000xf32>
    tpu.vector_store %arg1[%swap3A], %reduce_sum3A_2 {strides = array<i32>} : memref<50000xf32, #tpu.memory_space<vmem>>, vector<50000xf32>,
    return
  }
}

</mosaic_0001>

<sc_bundles>
// kernel: kernel.4.cloned.1.call-start
scs
__scs_entry_jumppad:
0x0: {  	(pc) =	sbr.rel $0x88, $3  }
0x1: {  	(tag) =	ssettag $0x0;
	lr =	simm.s32 $0x1  }
0x2: {  	[smem:$0x3F9F] =	sst lr;
	_ =	strace $0xD0000000  }
0x3: {  	_ = 	snop  }
0x4: {  	_ = 	snop  }
0x5: {  	_ = 	snop  }
0x6: {  	_ = 	snop  }
0x7: {  	_ = 	snop  }
__scs_overlays_trampoline_lowered:
0x8: {  	[smem:$0x3FAE] =	sst s0  }
0x9: {  	[smem:$0x3FAF] =	sst s1  }
0xa: {  	[smem:$0x3FB0] =	sst s2  }
0xb: {  	[smem:$0x3FB1] =	sst s3  }
0xc: {  	[smem:$0x3FB2] =	sst s4  }
0xd: {  	[smem:$0x3FB3] =	sst s5  }
0xe: {  	[smem:$0x3FB4] =	sst s6  }
0xf: {  	[smem:$0x3FB5] =	sst s7  }
0x10: {  	[smem:$0x3FB6] =	sst s8  }
0x11: {  	[smem:$0x3FB7] =	sst s9;
	s0 =	simm.s32 @!p0 $0x0  }
0x12: {  	s1 =	sld [smem:$0x3F9D];
	s0 =	simm.s32 @p0 $0x1  }
0x13: {  	[smem:$0x3FB8] =	sst s0;
	s0 =	simm.s32 @!p1 $0x0  }
0x14: {  	s2 =	sld [smem:$0x3F9C];
	s0 =	simm.s32 @p1 $0x1  }
0x15: {  	[smem:$0x3FB9] =	sst s0;
	s0 =	simm.s32 @!p2 $0x0  }
0x16: {  	s3 =	sld [smem:$0x3FDB];
	s0 =	simm.s32 @p2 $0x1  }
0x17: {  	s4 =	simm.s32 $0x1BF5;
	[smem:$0x3FBB] =	sst s0  }
0x18: {  	s0 =	sld [smem:$0x3F9E];
	_ =	swait.ge [sflag:s4], $0x0  }
0x19: {  	s7 =	sld [smem:$0x3F9F]  }
0x1a: {  	s8 =	sadd.s32 $0xFFFFE003, lr  }
0x1b: {  	s9 =	sadd.s32 $0xFFFFFEF7, lr;
	s5 =	simm.s32 $0xFFFFFFFF;
	p2 =	slt.u32 s8, $0xFFFFF086  }
0x1c: {  	p1 =	slt.u32 s9, $0xF7A;
	s5 =	simm.s32 @!p2 $0x0  }
0x1d: {  	s5 =	simm.s32 @p1 $0x1;
	p0 =	seq.s32 s7, s2  }
0x1e: {  	s7 =	smul.u32 @!p0 $0xF7A, s2;
	p2 =	seq.s32 @!p0 s5, $0x0  }
0x1f: {  	s9 =	smul.u32 $0xF7A, s1;
	s8 =	simm.s32 @!p0 $0x1BF5;
	p2 =	por !p2, p0  }
0x20: {  	[sflag:s8] =	ssyncset.s32 @!p0 $0xFFFFF086;
	s6 =	sadd.s32 @!p0 s3, s7;
	s7 =	simm.s32 @!p0 $0x108  }
0x21: {  	s3 =	sadd.s32 s3, s9;
	s6 =	sadd.s32 @!p0 $0x88, s6;
	s7 =	simm.s32 @p2 $0x1082  }
0x22: {  	[simem:s7], [sflag:s8] =	dma.local @!p0 [hbm:s6], $0xF7A  }
0x23: {  	s9 =	sor.u32 $0xD0000000, s2;
	s6 =	simm.s32 $0x108;
	_ =	swait.ge @!p0 [sflag:s8], $0x0  }
0x24: {  	s3 =	sadd.s32 $0x88, s3;
	s6 =	simm.s32 @!p1 $0x1082;
	[sflag:s4] =	ssyncset.s32 $0xFFFFF086  }
0x25: {  	[simem:s6], [sflag:s4] =	dma.local [hbm:s3], $0xF7A  }
0x26: {  	[smem:$0x3F9F] =	sst s1;
	(tag) =	ssettag s2;
	_ =	strace s9  }
0x27: {  	s1 =	sld [smem:$0x3FAF]  }
0x28: {  	s2 =	sld [smem:$0x3FB0]  }
0x29: {  	s4 =	sld [smem:$0x3FB2]  }
0x2a: {  	p0 =	seq.s32 s5, $0x0;
	s5 =	sld [smem:$0x3FB3]  }
0x2b: {  	s6 =	sld [smem:$0x3FB4]  }
0x2c: {  	s7 =	sld [smem:$0x3FB5]  }
0x2d: {  	s3 =	simm.s32 $0x108;
	s8 =	sld [smem:$0x3FB6]  }
0x2e: {  	s3 =	simm.s32 @!p0 $0x1082;
	s9 =	sld [smem:$0x3FB7]  }
0x2f: {  	lr =	sadd.s32 s0, s3;
	s0 =	sld [smem:$0x3FAE]  }
0x30: {  	s3 =	sld [smem:$0x3FB1]  }
0x31: {  	[smem:$0x3FBA] =	sst s10  }
0x32: {  	s10 =	sld [smem:$0x3FB8];
	_ =	sdelay $0x3  }
0x33: {  	p0 =	seq.s32 s10, $0x1;
	s10 =	sld [smem:$0x3FBA];
	_ =	sdelay $0x3  }
0x34: {  	[smem:$0x3FBA] =	sst s10  }
0x35: {  	s10 =	sld [smem:$0x3FB9];
	_ =	sdelay $0x3  }
0x36: {  	p1 =	seq.s32 s10, $0x1;
	s10 =	sld [smem:$0x3FBA];
	_ =	sdelay $0x3  }
0x37: {  	[smem:$0x3FBA] =	sst s10  }
0x38: {  	s10 =	sld [smem:$0x3FBB]  }
0x39: {  	_ = 	snop;
	(pc) =	sbr.ind lr, $3  }
0x3a: {  	_ = 	snop  }
0x3b: {  	_ = 	snop  }
0x3c: {  	p2 =	seq.s32 s10, $0x1;
	s10 =	sld [smem:$0x3FBA]  }
0x3d: {  	_ =	shalt  }
0x3e: {  	_ =	shalt  }
0x3f: {  	_ =	shalt  }
0x40: {  	_ =	shalt  }
0x41: {  	_ =	shalt  }
0x42: {  	_ =	shalt  }
0x43: {  	_ =	shalt  }
0x44: {  	_ =	shalt  }
0x45: {  	_ =	shalt  }
0x46: {  	_ =	shalt  }
0x47: {  	_ =	shalt  }
0x48: {  	_ =	shalt  }
0x49: {  	_ =	shalt  }
0x4a: {  	_ =	shalt  }
0x4b: {  	_ =	shalt  }
0x4c: {  	_ =	shalt  }
0x4d: {  	_ =	shalt  }
0x4e: {  	_ =	shalt  }
0x4f: {  	_ =	shalt  }
0x50: {  	_ =	shalt  }
0x51: {  	_ =	shalt  }
0x52: {  	_ =	shalt  }
0x53: {  	_ =	shalt  }
0x54: {  	_ =	shalt  }
0x55: {  	_ =	shalt  }
0x56: {  	_ =	shalt  }
0x57: {  	_ =	shalt  }
0x58: {  	_ =	shalt  }
0x59: {  	_ =	shalt  }
0x5a: {  	_ =	shalt  }
0x5b: {  	_ =	shalt  }
0x5c: {  	_ =	shalt  }
0x5d: {  	_ =	shalt  }
0x5e: {  	_ =	shalt  }
0x5f: {  	_ =	shalt  }
0x60: {  	_ =	shalt  }
0x61: {  	_ =	shalt  }
0x62: {  	_ =	shalt  }
0x63: {  	_ =	shalt  }
0x64: {  	_ =	shalt  }
0x65: {  	_ =	shalt  }
0x66: {  	_ =	shalt  }
0x67: {  	_ =	shalt  }
0x68: {  	_ =	shalt  }
0x69: {  	_ =	shalt  }
0x6a: {  	_ =	shalt  }
0x6b: {  	_ =	shalt  }
0x6c: {  	_ =	shalt  }
0x6d: {  	_ =	shalt  }
0x6e: {  	_ =	shalt  }
0x6f: {  	_ =	shalt  }
0x70: {  	_ =	shalt  }
0x71: {  	_ =	shalt  }
0x72: {  	_ =	shalt  }
0x73: {  	_ =	shalt  }
0x74: {  	_ =	shalt  }
0x75: {  	_ =	shalt  }
0x76: {  	_ =	shalt  }
0x77: {  	_ =	shalt  }
0x78: {  	_ =	shalt  }
0x79: {  	_ =	shalt  }
0x7a: {  	_ =	shalt  }
0x7b: {  	_ =	shalt  }
0x7c: {  	_ =	shalt  }
0x7d: {  	_ =	shalt  }
0x7e: {  	_ =	shalt  }
0x7f: {  	_ =	shalt  }
0x80: {  	_ =	shalt  }
0x81: {  	_ =	shalt  }
0x82: {  	_ =	shalt  }
0x83: {  	_ =	shalt  }
0x84: {  	_ =	shalt  }
0x85: {  	_ =	shalt  }
0x86: {  	_ =	shalt  }
0x87: {  	_ =	shalt  }
.Lfunc_end0:
.L_simem_size_0:
called_computation_lowered:
.L_overlay_start_0:
0x88: {  	s2 =	sld [smem:$0x3FD9]  }
0x89: {  	s3 =	sld [smem:$0x3FFE];
	_ =	sdelay $0x1  }
0x8a: {  	s1 =	srdreg.scid  }
0x8b: {  	s0 =	sand.u32 $0x1, s1  }
0x8c: {  	s17 =	sshll.u32 s0, $0xA;
	s2 =	sadd.s32 s3, s2  }
0x8d: {  	s2 =	sadd.s32 s2, s17  }
0x8e: {  	[smem:$0x3FC6] =	sst s2  }
0x8f: {  	_ = 	snop  }
0x90: {  	s2 =	sld [smem:$0x3FC9]  }
0x91: {  	s18 =	sld [smem:$0x3FC8];
	(tm) =	ssettm $0x1  }
0x92: {  	s4 =	sld [smem:$0x3FFB];
	_ =	sdelay $0x3  }
0x93: {  	_ =	strace s4  }
0x94: {  	s4 =	sld [smem:$0x3FFC];
	_ =	sdelay $0x3  }
0x95: {  	_ =	strace s4  }
0x96: {  	s4 =	sld [smem:$0x3FFD];
	_ =	sdelay $0x3  }
0x97: {  	_ =	strace s4  }
0x98: {  	_ =	strace $0x8FFFFFFF  }
0x99: {  	s19 =	sld [smem:$0x3FDB];
	_ =	sdelay $0x1  }
0x9a: {  	s5 =	simm.s32 $_scs_section_size  }
0x9b: {  	s6 =	simm.s32 $_size__tile_overlayer_lowered;
	s7 =	simm.s32 $_tile_overlayer_lowered  }
0x9c: {  	s22 =	simm.s32 $0x1BFF;
	s21 =	sshll.u32 s7, $0x1;
	s4 =	sadd.s32 s5, s19  }
0x9d: {  	s8 =	simm.s32 $0x0;
	s20 =	sshll.u32 s6, $0x1;
	s6 =	sadd.s32 s21, s4  }
0x9e: {  	[timem:s8], [sflag:s22] =	dma.local [hbm:s6], s20  }
0x9f: {  	_ =	swait.ge [sflag:s22], s20  }
0xa0: {  	s5 =	ssub.s32 $0x0, s20;
	[sflag:s22] =	ssyncset.done $0x0  }
0xa1: {  	[sflag:s22] =	ssyncadd.s32 s5;
	_ =	sdelay $0x1  }
0xa2: {  	s23 =	simm.s32 $0x1B8B  }
0xa3: {  	_ =	swait.ge [sflag:s23], $0x1  }
0xa4: {  	[sflag:s23] =	ssyncset.done $0x0  }
0xa5: {  	s25 =	simm.s32 $0x1B8E;
	s24 =	sld [smem:$0x3FFE];
	[sflag:s23] =	ssyncadd.s32 $0xFFFFFFFF  }
0xa6: {  	s26 =	simm.s32 $execute0_lowered;
	[smem:$0x3FD2] =	sst s25  }
0xa7: {  	s6 =	sshll.u32 s26, $0x1;
	_ =	strace $0x80000046;
	[dreg:$0x1] =	wrdreg $0xFFFFFFFF  }
0xa8: {  	s28 =	simm.s32 $_size_execute0_lowered;
	s4 =	sadd.s32 s4, s6;
	[dreg:$0x0] =	wrdreg $0x0  }
0xa9: {  	s6 =	sshll.u32 s28, $0x1;
	[dreg:$0x2] =	wrdreg s4  }
0xaa: {  	[dreg:$0x3] =	wrdreg s6  }
0xab: {  	[dreg:$0x4] =	wrdreg $0xC0  }
0xac: {  	_ =	task [dreg:s8], $0x5FFFF  }
0xad: {  	[dreg:$0x1] =	wrdreg $0xFFFFFFFF  }
0xae: {  	[dreg:$0x0] =	wrdreg $0x60  }
0xaf: {  	[dreg:$0x2] =	wrdreg s2  }
0xb0: {  	[dreg:$0x3] =	wrdreg s18  }
0xb1: {  	[dreg:$0x4] =	wrdreg s24  }
0xb2: {  	[dreg:$0x5] =	wrdreg $0x9  }
0xb3: {  	_ =	task.clear_ibuf [dreg:s8], $0x6FFFF;
	_ =	strace $0x90000046  }
0xb4: {  	s29 =	simm.s32 $0x9;
	_ =	strace $0x80000048  }
0xb5: {  	_ =	swait.ge [sflag:s29], $0x1  }
0xb6: {  	[sflag:s29] =	ssyncadd.s32 $0xFFFFFFFF  }
0xb7: {  	_ =	strace $0x90000048  }
0xb8: {  	_ =	sfence  }
0xb9: {  	s30 =	sld [smem:$0x0];
	_ =	sdelay $0x2  }
0xba: {  	s31 =	sshll.u32 s1, $0xD;
	s1 =	sshrl.u32 s1, $0x2  }
0xbb: {  	s3 =	sand.u32 $0x4000, s31;
	s1 =	sadd.s32 s1, s30  }
0xbc: {  	s0 =	sor.u32 s3, s0;
	s1 =	sshll.u32 s1, $0x11  }
0xbd: {  	s0 =	sor.u32 s1, s0  }
0xbe: {  	s0 =	sadd.s32 $0x8F2B, s0  }
0xbf: {  	[sflag:s0] =	ssyncadd.remote.s32 $0x1  }
0xc0: {  	_ =	sfence.sel $0xFFFF  }
0xc1: {  	[dreg:$0x0] =	wrdreg $0xFFFFFFFF;
	(pc) =	sbr.abs _section_cstart, $3  }
0xc2: {  	[dreg:$0x1] =	wrdreg $0xFFFFFFFF  }
0xc3: {  	_ =	task.clear_ibuf [dreg:s8], $0x2FFFF;
	_ =	strace $0x9FFFFFFF  }
0xc4: {  	(tm) =	ssettm $0x7FFFFFFF  }
0xc5: {  	_ =	shalt  }
tec
execute0_lowered:
.L_overlay_start_1:
0x0: {  	(tag) =	ssettag $0x1  }
0x1: {  	s1 =	rddreg [dreg:$0x0]  }
0x2: {  	s3 =	rddreg [dreg:$0x1]  }
0x3: {  	s2 =	srdreg.scid;
	s0 =	stileid.u32  }
0x4: {  	s5 =	rddreg [dreg:$0x2];
	s13 =	simm.s32 $0xC380;
	s14 =	simm.s32 $0xE380  }
0x5: {  	s15 =	simm.s32 $0xD380;
	s16 =	simm.s32 $0xF380;
	s17 =	simm.s32 $0x1  }
0x6: {  	s18 =	simm.s32 $0x3;
	s19 =	simm.s32 $0x2;
	s20 =	simm.s32 $0x4  }
0x7: {  	s21 =	simm.s32 $0x80;
	s22 =	simm.s32 $0x400;
	s23 =	simm.s32 $0x5  }
0x8: {  	s24 =	simm.s32 $0x0;
	s6 =	sand.u32 $0x1, s2;
	s4 =	sshll.u32 s0, $0x1  }
0x9: {  	s2 =	rddreg [dreg:$0x3];
	s8 =	sshrl.u32 s0, $0x2;
	s7 =	sor.u32 s6, s4  }
0xa: {  	v0 =	vimm.s32 $0xFFEDCBA9;
	v1 =	vimm.s32 $0x87654321;
	s4 =	simm.s32 $0x0;
	s8 =	smul.u32 $0x61C00, s8;
	s6 =	ssub.s32 $0x2, s6  }
0xb: {  	v0 =	vunpack.c.l.s4.s8 v0;
	v1 =	vunpack.c.l.s4.s8 v1;
	s9 =	sshll.u32 s7, $0x7;
	[smem:$0x7FF] =	sst s4;
	s10 =	smul.u32 $0x30D40, s7  }
0xc: {  	s29 =	sshrl.u32 s6, $0x1;
	s9 =	sand.u32 $0x380, s9;
	_ =	strace $0x80000047  }
.Ltmp0:
0xd: {  	v0 =	vunpack.c.0.s8.s32 v0;
	v1 =	vunpack.c.0.s8.s32 v1;
	s12 =	ssub.s32 s6, s29;
	s8 =	sor.u32 s8, s9;
	(pc) =	sbr.rel .LBB2_1-.Ltmp0, $4  }
0xe: {  	s30 =	sshrl.u32 s10, $0x3;
	s9 =	sadd.s32 $0x1F40, s10;
	s10 =	sadd.s32 $0x2EE0, s10  }
0xf: {  	s12 =	smax.u32 s12, $0x1;
	v1 =	vcombine.low v1, v0;
	s28 =	sshrl.u32 s8, $0x3;
	s6 =	sadd.s32 s3, s30  }
0x10: {  	s31 =	sadd.s32 $0x1F4, s30;
	s11 =	sadd.s32 s28, s5;
	s5 =	sadd.s32 s1, s30  }
0x11: {  	vm0 =	vcmask $0x3F3C;
	v0 =	vimm.f32 $0.0e+00;
	s7 =	sadd.s32 s1, s31;
	s8 =	sadd.s32 s3, s31;
	v1 =	vand.u32 $0xF, v1;
	s11 =	sadd.s32 $0x600, s11  }
.LBB2_12:
0x12: {  	s24 =	sadd.s32 $0x1, s24  }
0x13: {  	p0 =	sne.s32 s24, s12  }
.Ltmp1:
0x14: {  	_ = 	snop;
	(pc) =	sbr.rel @!p0 .LBB2_13-.Ltmp1, $4  }
0x15: {  	[hbm4b:s11+s21] =	stream.strided.scatter [tilespmem:s4], [sflag:$0x5], $0xC380, s22, s21, $0x38;
	[tilespmem:$0x10380] =	vst v63  }
0x16: {  	_ =	swait.ge [sflag:s23], $0xC380  }
0x17: {  	[sflag:s23] =	ssyncset.done $0x0  }
0x18: {  	[sflag:s23] =	ssyncadd.s32 $0xFFFF3C80  }
.LBB2_1:
0x19: {  	[tilespmem:s13], [sflag:$0x1] =	stream.linear.gather [hbm4b:s5+s4], $0xFA0, $0x38;
	[tilespmem:$0x10380] =	vst v63  }
0x1a: {  	s25 =	simm.s32 $0x40  }
0x1b: {  	[tilespmem:s14], [sflag:$0x3] =	stream.linear.gather [hbm4b:s6+s4], $0xFA0, $0x38;
	[tilespmem:$0x10380] =	vst v63  }
0x1c: {  	[tilespmem:s25+$0xFFFFFFC0] =	vst v0  }
0x1d: {  	[tilespmem:s25+$0x30] =	vst v0  }
0x1e: {  	[tilespmem:s25+$0x20] =	vst v0  }
0x1f: {  	[tilespmem:s25+$0x10] =	vst v0  }
0x20: {  	[tilespmem:s25+$0x0] =	vst v0  }
0x21: {  	[tilespmem:s25+$0xFFFFFFF0] =	vst v0  }
0x22: {  	s29 =	simm.s32 $0x0;
	s26 =	simm.s32 $0xC300;
	[tilespmem:s25+$0xFFFFFFE0] =	vst v0  }
.LBB2_2:
0x23: {  	s29 =	sadd.s32 $0x80, s29;
	[tilespmem:s25+$0xFFFFFFD0] =	vst v0;
	s25 =	sadd.s32 $0x80, s25;
	s28 =	simm.s32 $0xC2F0  }
0x24: {  	[tilespmem:s25+$0xFFFFFFC0] =	vst v0;
	p0 =	slt.u32 s29, $0xC280  }
0x25: {  	[tilespmem:s25+$0x30] =	vst v0  }
.Ltmp2:
0x26: {  	[tilespmem:s25+$0x20] =	vst v0;
	(pc) =	sbr.rel @p0 .LBB2_2-.Ltmp2, $4  }
0x27: {  	[tilespmem:s25+$0x10] =	vst v0  }
0x28: {  	[tilespmem:s25+$0x0] =	vst v0  }
0x29: {  	[tilespmem:s25+$0xFFFFFFF0] =	vst v0  }
0x2a: {  	[tilespmem:s25+$0xFFFFFFE0] =	vst v0  }
0x2b: {  	[tilespmem:s25+$0xFFFFFFD0] =	vst v0  }
.LBB2_4:
0x2c: {  	s28 =	sadd.s32 $0x10, s28  }
0x2d: {  	p0 =	slt.u32 s28, $0xC340  }
.Ltmp3:
0x2e: {  	_ = 	snop;
	(pc) =	sbr.rel @p0 .LBB2_4-.Ltmp3, $2  }
0x2f: {  	_ =	sdelay $0x2  }
0x30: {  	[tilespmem:s26+$0x0] =	vst v0;
	s26 =	sadd.s32 $0x10, s26  }
0x31: {  	s25 =	simm.s32 $0x0  }
0x32: {  	[tilespmem:s15], [sflag:$0x2] =	stream.linear.gather [hbm4b:s7+s25], $0xFA0, $0x38;
	[tilespmem:$0x10380] =	vst v63  }
0x33: {  	_ = 	snop  }
0x34: {  	[tilespmem:s16], [sflag:$0x4] =	stream.linear.gather [hbm4b:s8+s25], $0xFA0, $0x38;
	[tilespmem:$0x10380] =	vst v63  }
.LBB2_6:
0x35: {  	_ =	swait.ge [sflag:s17], $0xFA0  }
0x36: {  	[sflag:s17] =	ssyncset.done $0x0  }
0x37: {  	[sflag:s17] =	ssyncadd.s32 $0xFFFFF060  }
0x38: {  	_ =	swait.ge [sflag:s18], $0xFA0  }
0x39: {  	s26 =	simm.s32 $0x0;
	[sflag:s18] =	ssyncset.done $0x0  }
0x3a: {  	s28 =	sand.u32 $0xFE0, s26;
	[sflag:s18] =	ssyncadd.s32 $0xFFFFF060  }
0x3b: {  	v2 =	vld [tilespmem:s28+$0xC400];
	_ =	sdelay $0x1  }
0x3c: {  	v4 =	vld [tilespmem:s28+$0xE400];
	_ =	sdelay $0x1  }
0x3d: {  	s28 =	simm.s32 $0xC3D0  }
0x3e: {  	v5 =	vld [tilespmem:s28+$0x10];
	(xrf2) =	vadd.scan.msk.f32 $0xffff, v2  }
0x3f: {  	s29 =	simm.s32 $0xE3D0  }
0x40: {  	v7 =	vld [tilespmem:s29+$0x10];
	v8 =	vperm.xlane v4, v1;
	_ =	sdelay $0x1  }
0x41: {  	vm1 =	vne.s32 v4, v8  }
0x42: {  	v9 =	vld [tilespmem:s28+$0xFFFFFFF0];
	(xrf2) =	vadd.scan.msk.f32 $0xffff, v5;
	vm2 =	vmor vm1, vm0  }
0x43: {  	v10 =	vld [tilespmem:s29+$0xFFFFFFF0]  }
0x44: {  	v6 =	vld [tilespmem:s28+$0x40];
	v11 =	vperm.xlane v7, v1;
	_ =	sdelay $0x1  }
0x45: {  	v14 =	vld [tilespmem:s29+$0x40];
	vm3 =	vne.s32 v7, v11  }
0x46: {  	v3 =	vld [tilespmem:s29+$0xFFFFFFE0];
	(xrf2) =	vadd.scan.msk.f32 $0xffff, v9;
	vm4 =	vmor vm3, vm0;
	v9, _, _ =	vpop (xrf2)  }
0x47: {  	[tilespmem:v4+s4+$0x0] =	vst.idx.add.f32.msk vm2, v9;
	v4 =	vsub.f32 $0.0e+00, v9  }
0x48: {  	v13 =	vld [tilespmem:s28+$0x20];
	v12 =	vperm.xlane v10, v1;
	(xrf2) =	vadd.scan.msk.f32 $0xffff, v6  }
0x49: {  	v15 =	vld [tilespmem:s28+$0x0]  }
0x4a: {  	v17 =	vperm.xlane v14, v1;
	vm2 =	vne.s32 v10, v12;
	v9 =	vld [tilespmem:s29+$0x0]  }
0x4b: {  	vm5 =	vmor vm2, vm0;
	[tilespmem:v8+s4+$0x0] =	vst.idx.add.f32.msk vm1, v4;
	v4, _, _ =	vpop (xrf2)  }
0x4c: {  	vm7 =	vne.s32 v14, v17;
	[tilespmem:v7+s4+$0x0] =	vst.idx.add.f32.msk vm4, v4;
	v4 =	vsub.f32 $0.0e+00, v4  }
0x4d: {  	v16 =	vld [tilespmem:s28+$0xFFFFFFE0];
	vm4 =	vmor vm7, vm0  }
0x4e: {  	v2 =	vld [tilespmem:s29+$0xFFFFFFB0]  }
0x4f: {  	(xrf2) =	vadd.scan.msk.f32 $0xffff, v15;
	v8 =	vld [tilespmem:s29+$0x20]  }
0x50: {  	[tilespmem:v11+s4+$0x0] =	vst.idx.add.f32.msk vm3, v4;
	v4, _, _ =	vpop (xrf2)  }
0x51: {  	[tilespmem:v10+s4+$0x0] =	vst.idx.add.f32.msk vm5, v4;
	v10 =	vperm.xlane v9, v1  }
0x52: {  	v15 =	vld [tilespmem:s28+$0xFFFFFFC0];
	v11, _, _ =	vpop (xrf2);
	(xrf2) =	vadd.scan.msk.f32 $0xffff, v13  }
0x53: {  	[tilespmem:v14+s4+$0x0] =	vst.idx.add.f32.msk vm4, v11;
	vm4 =	vne.s32 v9, v10  }
0x54: {  	v5 =	vld [tilespmem:s28+$0xFFFFFFB0];
	v7 =	vsub.f32 $0.0e+00, v4;
	vm5 =	vmor vm4, vm0  }
0x55: {  	v6 =	vld [tilespmem:s29+$0xFFFFFFD0];
	v13 =	vsub.f32 $0.0e+00, v11;
	(xrf2) =	vadd.scan.msk.f32 $0xffff, v16  }
0x56: {  	v4 =	vperm.xlane v3, v1;
	[tilespmem:v12+s4+$0x0] =	vst.idx.add.f32.msk vm2, v7;
	v7 =	vperm.xlane v8, v1  }
0x57: {  	v12 =	vld [tilespmem:s28+$0xFFFFFFD0]  }
0x58: {  	v11 =	vld [tilespmem:s29+$0xFFFFFFC0];
	vm1 =	vne.s32 v3, v4;
	(xrf2) =	vadd.scan.msk.f32 $0xffff, v15;
	vm3 =	vne.s32 v8, v7  }
0x59: {  	vm2 =	vmor vm1, vm0;
	[tilespmem:v17+s4+$0x0] =	vst.idx.add.f32.msk vm7, v13;
	vm6 =	vmor vm3, vm0;
	v13, _, _ =	vpop (xrf2)  }
.LBB2_7:
0x5a: {  	s26 =	sadd.s32 $0xA0, s26;
	[tilespmem:v9+s4+$0x0] =	vst.idx.add.f32.msk vm5, v13;
	v9 =	vsub.f32 $0.0e+00, v13;
	s29 =	sadd.s32 $0xA0, s29;
	s28 =	sadd.s32 $0xA0, s28  }
0x5b: {  	s30 =	sand.u32 $0xFE0, s26;
	v13 =	vld [tilespmem:s28+$0x40];
	p0 =	slt.u32 s26, $0xF00  }
0x5c: {  	v14 =	vld [tilespmem:s28+$0xFFFFFFF0];
	(xrf2) =	vadd.scan.msk.f32 $0xffff, v12;
	v12, _, _ =	vpop (xrf2)  }
0x5d: {  	v15 =	vld [tilespmem:s28+$0x10]  }
0x5e: {  	v17 =	vperm.xlane v11, v1;
	v16 =	vld [tilespmem:s29+$0xFFFFFFE0]  }
0x5f: {  	v18 =	vld [tilespmem:s29+$0xFFFFFFF0];
	v19, _, _ =	vpop (xrf2)  }
0x60: {  	vm5 =	vne.s32 v11, v17;
	[tilespmem:v8+s4+$0x0] =	vst.idx.add.f32.msk vm6, v12;
	(xrf2) =	vadd.scan.msk.f32 $0xffff, v5  }
0x61: {  	vm6 =	vmor vm5, vm0;
	v5 =	vperm.xlane v6, v1;
	v20 =	vld [tilespmem:s29+$0x10]  }
0x62: {  	v8 =	vsub.f32 $0.0e+00, v12;
	[tilespmem:v10+s4+$0x0] =	vst.idx.add.f32.msk vm4, v9;
	v9, _, _ =	vpop (xrf2)  }
0x63: {  	v12 =	vperm.xlane v2, v1;
	vm4 =	vne.s32 v6, v5;
	v10 =	vld [tilespmem:s30+$0xC400]  }
0x64: {  	vm7 =	vmor vm4, vm0;
	[tilespmem:v3+s4+$0x0] =	vst.idx.add.f32.msk vm2, v19;
	v3 =	vmov v16  }
0x65: {  	vm2 =	vne.s32 v2, v12;
	v16 =	vld [tilespmem:s30+$0xE400]  }
0x66: {  	v19 =	vsub.f32 $0.0e+00, v19;
	vm8 =	vmor vm2, vm0;
	v21 =	vld [tilespmem:s29+$0xFFFFFFB0];
	v22, _, _ =	vpop (xrf2)  }
0x67: {  	[tilespmem:v11+s4+$0x0] =	vst.idx.add.f32.msk vm6, v9  }
0x68: {  	v9 =	vsub.f32 $0.0e+00, v9;
	(xrf2) =	vadd.scan.msk.f32 $0xffff, v10;
	[tilespmem:v7+s4+$0x0] =	vst.idx.add.f32.msk vm3, v8  }
0x69: {  	v7 =	vsub.f32 $0.0e+00, v22;
	[tilespmem:v4+s4+$0x0] =	vst.idx.add.f32.msk vm1, v19  }
0x6a: {  	v8 =	vperm.xlane v16, v1;
	[tilespmem:v6+s4+$0x0] =	vst.idx.add.f32.msk vm7, v22;
	v4, _, _ =	vpop (xrf2)  }
0x6b: {  	v6 =	vsub.f32 $0.0e+00, v4;
	[tilespmem:v5+s4+$0x0] =	vst.idx.add.f32.msk vm4, v7  }
0x6c: {  	vm4 =	vne.s32 v16, v8;
	[tilespmem:v2+s4+$0x0] =	vst.idx.add.f32.msk vm8, v4;
	v2 =	vmov v21  }
0x6d: {  	vm1 =	vmor vm4, vm0;
	(xrf2) =	vadd.scan.msk.f32 $0xffff, v15;
	[tilespmem:v12+s4+$0x0] =	vst.idx.add.f32.msk vm2, v6  }
0x6e: {  	[tilespmem:v17+s4+$0x0] =	vst.idx.add.f32.msk vm5, v9  }
0x6f: {  	v6 =	vperm.xlane v20, v1;
	v7 =	vld [tilespmem:s28+$0x20]  }
0x70: {  	v5 =	vld [tilespmem:s28+$0xFFFFFFB0];
	(xrf2) =	vadd.scan.msk.f32 $0xffff, v14  }
0x71: {  	vm3 =	vne.s32 v20, v6;
	v11 =	vld [tilespmem:s29+$0x40]  }
0x72: {  	v4 =	vperm.xlane v3, v1;
	v12 =	vperm.xlane v18, v1;
	vm5 =	vmor vm3, vm0;
	v10 =	vld [tilespmem:s28+$0x0];
	v9, _, _ =	vpop (xrf2)  }
0x73: {  	[tilespmem:v16+s4+$0x0] =	vst.idx.add.f32.msk vm1, v9;
	v14 =	vsub.f32 $0.0e+00, v9;
	(xrf2) =	vadd.scan.msk.f32 $0xffff, v13  }
0x74: {  	vm6 =	vne.s32 v18, v12;
	vm1 =	vne.s32 v3, v4;
	v9 =	vld [tilespmem:s29+$0x0]  }
0x75: {  	vm7 =	vmor vm6, vm0;
	vm2 =	vmor vm1, vm0;
	[tilespmem:v8+s4+$0x0] =	vst.idx.add.f32.msk vm4, v14  }
0x76: {  	v13 =	vld [tilespmem:s28+$0xFFFFFFE0];
	v14 =	vperm.xlane v11, v1  }
0x77: {  	v8 =	vld [tilespmem:s29+$0x20];
	(xrf2) =	vadd.scan.msk.f32 $0xffff, v10;
	v10, _, _ =	vpop (xrf2)  }
0x78: {  	[tilespmem:v20+s4+$0x0] =	vst.idx.add.f32.msk vm5, v10;
	v15 =	vsub.f32 $0.0e+00, v10;
	vm8 =	vne.s32 v11, v14  }
0x79: {  	v16 =	vld [tilespmem:s28+$0xFFFFFFC0];
	v10 =	vperm.xlane v9, v1;
	vm9 =	vmor vm8, vm0  }
0x7a: {  	[tilespmem:v6+s4+$0x0] =	vst.idx.add.f32.msk vm3, v15;
	v6, _, _ =	vpop (xrf2);
	(xrf2) =	vadd.scan.msk.f32 $0xffff, v7  }
0x7b: {  	[tilespmem:v18+s4+$0x0] =	vst.idx.add.f32.msk vm7, v6;
	v7 =	vsub.f32 $0.0e+00, v6;
	vm4 =	vne.s32 v9, v10  }
0x7c: {  	v6 =	vld [tilespmem:s29+$0xFFFFFFD0];
	vm5 =	vmor vm4, vm0  }
.Ltmp4:
0x7d: {  	[tilespmem:v12+s4+$0x0] =	vst.idx.add.f32.msk vm6, v7;
	v7 =	vperm.xlane v8, v1;
	(xrf2) =	vadd.scan.msk.f32 $0xffff, v13;
	v13, _, _ =	vpop (xrf2);
	(pc) =	sbr.rel @p0 .LBB2_7-.Ltmp4, $4  }
0x7e: {  	v12 =	vld [tilespmem:s28+$0xFFFFFFD0]  }
0x7f: {  	v15 =	vsub.f32 $0.0e+00, v13;
	vm3 =	vne.s32 v8, v7;
	[tilespmem:v11+s4+$0x0] =	vst.idx.add.f32.msk vm9, v13  }
0x80: {  	v11 =	vld [tilespmem:s29+$0xFFFFFFC0];
	vm6 =	vmor vm3, vm0;
	(xrf2) =	vadd.scan.msk.f32 $0xffff, v16  }
0x81: {  	[tilespmem:v14+s4+$0x0] =	vst.idx.add.f32.msk vm8, v15;
	v13, _, _ =	vpop (xrf2)  }
0x82: {  	_ =	sdelay $0x2  }
0x83: {  	(xrf2) =	vadd.scan.msk.f32 $0xffff, v12  }
0x84: {  	(xrf2) =	vadd.scan.msk.f32 $0xffff, v5;
	v12 =	vperm.xlane v11, v1  }
0x85: {  	[tilespmem:v9+s4+$0x0] =	vst.idx.add.f32.msk vm5, v13;
	v9 =	vsub.f32 $0.0e+00, v13;
	v5 =	vperm.xlane v6, v1  }
0x86: {  	v13 =	vperm.xlane v2, v1;
	vm7 =	vne.s32 v11, v12  }
0x87: {  	v14, _, _ =	vpop (xrf2);
	[tilespmem:v10+s4+$0x0] =	vst.idx.add.f32.msk vm4, v9;
	vm5 =	vne.s32 v6, v5;
	vm8 =	vmor vm7, vm0  }
0x88: {  	vm4 =	vne.s32 v2, v13;
	[tilespmem:v8+s4+$0x0] =	vst.idx.add.f32.msk vm6, v14;
	vm6 =	vmor vm5, vm0;
	v8, _, _ =	vpop (xrf2)  }
0x89: {  	v9 =	vsub.f32 $0.0e+00, v14;
	[tilespmem:v3+s4+$0x0] =	vst.idx.add.f32.msk vm2, v8;
	vm2 =	vmor vm4, vm0  }
0x8a: {  	v3 =	vsub.f32 $0.0e+00, v8  }
0x8b: {  	[tilespmem:v7+s4+$0x0] =	vst.idx.add.f32.msk vm3, v9  }
0x8c: {  	v10, _, _ =	vpop (xrf2);
	[tilespmem:v4+s4+$0x0] =	vst.idx.add.f32.msk vm1, v3  }
0x8d: {  	p0 =	seq.s32 s25, $0x18;
	v8, _, _ =	vpop (xrf2);
	[tilespmem:v11+s4+$0x0] =	vst.idx.add.f32.msk vm8, v10  }
0x8e: {  	s26 =	smul.u32 @!p0 $0x1F40, s25;
	v7 =	vsub.f32 $0.0e+00, v8;
	[tilespmem:v6+s4+$0x0] =	vst.idx.add.f32.msk vm6, v8;
	v3, _, _ =	vpop (xrf2)  }
0x8f: {  	v4 =	vsub.f32 $0.0e+00, v3;
	[tilespmem:v2+s4+$0x0] =	vst.idx.add.f32.msk vm2, v3  }
0x90: {  	s26 =	sadd.s32 @!p0 s26, s9;
	[tilespmem:v5+s4+$0x0] =	vst.idx.add.f32.msk vm5, v7;
	v5 =	vsub.f32 $0.0e+00, v10  }
0x91: {  	s26 =	sshrl.u32 @!p0 s26, $0x3;
	[tilespmem:v13+s4+$0x0] =	vst.idx.add.f32.msk vm4, v4  }
0x92: {  	s29 =	simm.s32 @!p0 $0x0;
	s30 =	simm.s32 @!p0 $0xC380;
	s28 =	sadd.s32 @!p0 s1, s26;
	[tilespmem:v12+s4+$0x0] =	vst.idx.add.f32.msk vm7, v5  }
0x93: {  	[tilespmem:s30], [sflag:$0x1] =	stream.linear.gather @!p0 [hbm4b:s28+s29], $0xFA0, $0x38;
	[tilespmem:$0x10380] =	vst v63  }
0x94: {  	s26 =	sadd.s32 @!p0 s3, s26;
	s28 =	simm.s32 @!p0 $0xE380  }
0x95: {  	[tilespmem:s28], [sflag:$0x3] =	stream.linear.gather @!p0 [hbm4b:s26+s29], $0xFA0, $0x38;
	[tilespmem:$0x10380] =	vst v63  }
0x96: {  	_ =	swait.ge [sflag:s19], $0xFA0  }
0x97: {  	[sflag:s19] =	ssyncset.done $0x0  }
0x98: {  	[sflag:s19] =	ssyncadd.s32 $0xFFFFF060  }
0x99: {  	_ =	swait.ge [sflag:s20], $0xFA0  }
0x9a: {  	s26 =	simm.s32 $0x0;
	[sflag:s20] =	ssyncset.done $0x0  }
0x9b: {  	s28 =	sand.u32 $0xFE0, s26;
	[sflag:s20] =	ssyncadd.s32 $0xFFFFF060  }
0x9c: {  	v2 =	vld [tilespmem:s28+$0xD400];
	_ =	sdelay $0x1  }
0x9d: {  	v4 =	vld [tilespmem:s28+$0xF400];
	_ =	sdelay $0x1  }
0x9e: {  	s28 =	simm.s32 $0xD3D0  }
0x9f: {  	v5 =	vld [tilespmem:s28+$0x10];
	(xrf2) =	vadd.scan.msk.f32 $0xffff, v2  }
0xa0: {  	s29 =	simm.s32 $0xF3D0  }
0xa1: {  	v8 =	vld [tilespmem:s29+$0x10];
	v7 =	vperm.xlane v4, v1;
	_ =	sdelay $0x1  }
0xa2: {  	vm1 =	vne.s32 v4, v7  }
0xa3: {  	v9 =	vld [tilespmem:s28+$0xFFFFFFF0];
	(xrf2) =	vadd.scan.msk.f32 $0xffff, v5;
	vm2 =	vmor vm1, vm0  }
0xa4: {  	v10 =	vld [tilespmem:s29+$0xFFFFFFF0]  }
0xa5: {  	v6 =	vld [tilespmem:s28+$0x40];
	v11 =	vperm.xlane v8, v1;
	_ =	sdelay $0x1  }
0xa6: {  	v14 =	vld [tilespmem:s29+$0x40];
	vm3 =	vne.s32 v8, v11  }
0xa7: {  	v3 =	vld [tilespmem:s29+$0xFFFFFFE0];
	(xrf2) =	vadd.scan.msk.f32 $0xffff, v9;
	vm4 =	vmor vm3, vm0;
	v9, _, _ =	vpop (xrf2)  }
0xa8: {  	[tilespmem:v4+s4+$0x0] =	vst.idx.add.f32.msk vm2, v9;
	v4 =	vsub.f32 $0.0e+00, v9  }
0xa9: {  	v13 =	vld [tilespmem:s28+$0x20];
	v12 =	vperm.xlane v10, v1;
	(xrf2) =	vadd.scan.msk.f32 $0xffff, v6  }
0xaa: {  	v15 =	vld [tilespmem:s28+$0x0]  }
0xab: {  	v17 =	vperm.xlane v14, v1;
	vm2 =	vne.s32 v10, v12;
	v9 =	vld [tilespmem:s29+$0x0]  }
0xac: {  	vm5 =	vmor vm2, vm0;
	[tilespmem:v7+s4+$0x0] =	vst.idx.add.f32.msk vm1, v4;
	v4, _, _ =	vpop (xrf2)  }
0xad: {  	vm7 =	vne.s32 v14, v17;
	[tilespmem:v8+s4+$0x0] =	vst.idx.add.f32.msk vm4, v4;
	v4 =	vsub.f32 $0.0e+00, v4  }
0xae: {  	v16 =	vld [tilespmem:s28+$0xFFFFFFE0];
	vm4 =	vmor vm7, vm0  }
0xaf: {  	v2 =	vld [tilespmem:s29+$0xFFFFFFB0]  }
0xb0: {  	(xrf2) =	vadd.scan.msk.f32 $0xffff, v15;
	v7 =	vld [tilespmem:s29+$0x20]  }
0xb1: {  	[tilespmem:v11+s4+$0x0] =	vst.idx.add.f32.msk vm3, v4;
	v4, _, _ =	vpop (xrf2)  }
0xb2: {  	[tilespmem:v10+s4+$0x0] =	vst.idx.add.f32.msk vm5, v4;
	v10 =	vperm.xlane v9, v1  }
0xb3: {  	v15 =	vld [tilespmem:s28+$0xFFFFFFC0];
	v11, _, _ =	vpop (xrf2);
	(xrf2) =	vadd.scan.msk.f32 $0xffff, v13  }
0xb4: {  	[tilespmem:v14+s4+$0x0] =	vst.idx.add.f32.msk vm4, v11;
	vm4 =	vne.s32 v9, v10  }
0xb5: {  	v5 =	vld [tilespmem:s28+$0xFFFFFFB0];
	v8 =	vsub.f32 $0.0e+00, v4;
	vm5 =	vmor vm4, vm0  }
0xb6: {  	v6 =	vld [tilespmem:s29+$0xFFFFFFD0];
	v13 =	vsub.f32 $0.0e+00, v11;
	(xrf2) =	vadd.scan.msk.f32 $0xffff, v16  }
0xb7: {  	v4 =	vperm.xlane v3, v1;
	[tilespmem:v12+s4+$0x0] =	vst.idx.add.f32.msk vm2, v8;
	v8 =	vperm.xlane v7, v1  }
0xb8: {  	v12 =	vld [tilespmem:s28+$0xFFFFFFD0]  }
0xb9: {  	v11 =	vld [tilespmem:s29+$0xFFFFFFC0];
	vm1 =	vne.s32 v3, v4;
	(xrf2) =	vadd.scan.msk.f32 $0xffff, v15;
	vm3 =	vne.s32 v7, v8  }
0xba: {  	vm2 =	vmor vm1, vm0;
	[tilespmem:v17+s4+$0x0] =	vst.idx.add.f32.msk vm7, v13;
	vm6 =	vmor vm3, vm0;
	v13, _, _ =	vpop (xrf2)  }
.LBB2_9:
0xbb: {  	s26 =	sadd.s32 $0xA0, s26;
	[tilespmem:v9+s4+$0x0] =	vst.idx.add.f32.msk vm5, v13;
	v9 =	vsub.f32 $0.0e+00, v13;
	s29 =	sadd.s32 $0xA0, s29;
	s28 =	sadd.s32 $0xA0, s28  }
0xbc: {  	s30 =	sand.u32 $0xFE0, s26;
	v13 =	vld [tilespmem:s28+$0x40];
	p1 =	slt.u32 s26, $0xF00  }
0xbd: {  	v14 =	vld [tilespmem:s28+$0xFFFFFFF0];
	(xrf2) =	vadd.scan.msk.f32 $0xffff, v12;
	v12, _, _ =	vpop (xrf2)  }
0xbe: {  	v15 =	vld [tilespmem:s28+$0x10]  }
0xbf: {  	v17 =	vperm.xlane v11, v1;
	v16 =	vld [tilespmem:s29+$0xFFFFFFE0]  }
0xc0: {  	v18 =	vld [tilespmem:s29+$0xFFFFFFF0];
	v19, _, _ =	vpop (xrf2)  }
0xc1: {  	vm5 =	vne.s32 v11, v17;
	[tilespmem:v7+s4+$0x0] =	vst.idx.add.f32.msk vm6, v12;
	(xrf2) =	vadd.scan.msk.f32 $0xffff, v5  }
0xc2: {  	vm6 =	vmor vm5, vm0;
	v5 =	vperm.xlane v6, v1;
	v20 =	vld [tilespmem:s29+$0x10]  }
0xc3: {  	v7 =	vsub.f32 $0.0e+00, v12;
	[tilespmem:v10+s4+$0x0] =	vst.idx.add.f32.msk vm4, v9;
	v9, _, _ =	vpop (xrf2)  }
0xc4: {  	v12 =	vperm.xlane v2, v1;
	vm4 =	vne.s32 v6, v5;
	v10 =	vld [tilespmem:s30+$0xD400]  }
0xc5: {  	vm7 =	vmor vm4, vm0;
	[tilespmem:v3+s4+$0x0] =	vst.idx.add.f32.msk vm2, v19;
	v3 =	vmov v16  }
0xc6: {  	vm2 =	vne.s32 v2, v12;
	v16 =	vld [tilespmem:s30+$0xF400]  }
0xc7: {  	v19 =	vsub.f32 $0.0e+00, v19;
	vm8 =	vmor vm2, vm0;
	v21 =	vld [tilespmem:s29+$0xFFFFFFB0];
	v22, _, _ =	vpop (xrf2)  }
0xc8: {  	[tilespmem:v11+s4+$0x0] =	vst.idx.add.f32.msk vm6, v9  }
0xc9: {  	v9 =	vsub.f32 $0.0e+00, v9;
	(xrf2) =	vadd.scan.msk.f32 $0xffff, v10;
	[tilespmem:v8+s4+$0x0] =	vst.idx.add.f32.msk vm3, v7  }
0xca: {  	v7 =	vsub.f32 $0.0e+00, v22;
	[tilespmem:v4+s4+$0x0] =	vst.idx.add.f32.msk vm1, v19  }
0xcb: {  	v8 =	vperm.xlane v16, v1;
	[tilespmem:v6+s4+$0x0] =	vst.idx.add.f32.msk vm7, v22;
	v4, _, _ =	vpop (xrf2)  }
0xcc: {  	v6 =	vsub.f32 $0.0e+00, v4;
	[tilespmem:v5+s4+$0x0] =	vst.idx.add.f32.msk vm4, v7  }
0xcd: {  	vm4 =	vne.s32 v16, v8;
	[tilespmem:v2+s4+$0x0] =	vst.idx.add.f32.msk vm8, v4;
	v2 =	vmov v21  }
0xce: {  	vm1 =	vmor vm4, vm0;
	(xrf2) =	vadd.scan.msk.f32 $0xffff, v15;
	[tilespmem:v12+s4+$0x0] =	vst.idx.add.f32.msk vm2, v6  }
0xcf: {  	[tilespmem:v17+s4+$0x0] =	vst.idx.add.f32.msk vm5, v9  }
0xd0: {  	v6 =	vperm.xlane v20, v1;
	v11 =	vld [tilespmem:s28+$0x20]  }
0xd1: {  	v5 =	vld [tilespmem:s28+$0xFFFFFFB0];
	(xrf2) =	vadd.scan.msk.f32 $0xffff, v14  }
0xd2: {  	vm3 =	vne.s32 v20, v6;
	v14 =	vld [tilespmem:s29+$0x40]  }
0xd3: {  	v4 =	vperm.xlane v3, v1;
	v12 =	vperm.xlane v18, v1;
	vm5 =	vmor vm3, vm0;
	v10 =	vld [tilespmem:s28+$0x0];
	v7, _, _ =	vpop (xrf2)  }
0xd4: {  	[tilespmem:v16+s4+$0x0] =	vst.idx.add.f32.msk vm1, v7;
	v7 =	vsub.f32 $0.0e+00, v7;
	(xrf2) =	vadd.scan.msk.f32 $0xffff, v13  }
0xd5: {  	vm6 =	vne.s32 v18, v12;
	vm1 =	vne.s32 v3, v4;
	v9 =	vld [tilespmem:s29+$0x0]  }
0xd6: {  	vm7 =	vmor vm6, vm0;
	vm2 =	vmor vm1, vm0;
	[tilespmem:v8+s4+$0x0] =	vst.idx.add.f32.msk vm4, v7  }
0xd7: {  	v13 =	vld [tilespmem:s28+$0xFFFFFFE0];
	v15 =	vperm.xlane v14, v1  }
0xd8: {  	v7 =	vld [tilespmem:s29+$0x20];
	(xrf2) =	vadd.scan.msk.f32 $0xffff, v10;
	v8, _, _ =	vpop (xrf2)  }
0xd9: {  	[tilespmem:v20+s4+$0x0] =	vst.idx.add.f32.msk vm5, v8;
	v8 =	vsub.f32 $0.0e+00, v8;
	vm8 =	vne.s32 v14, v15  }
0xda: {  	v16 =	vld [tilespmem:s28+$0xFFFFFFC0];
	v10 =	vperm.xlane v9, v1;
	vm9 =	vmor vm8, vm0  }
0xdb: {  	[tilespmem:v6+s4+$0x0] =	vst.idx.add.f32.msk vm3, v8;
	v6, _, _ =	vpop (xrf2);
	(xrf2) =	vadd.scan.msk.f32 $0xffff, v11  }
0xdc: {  	[tilespmem:v18+s4+$0x0] =	vst.idx.add.f32.msk vm7, v6;
	v8 =	vsub.f32 $0.0e+00, v6;
	vm4 =	vne.s32 v9, v10  }
0xdd: {  	v6 =	vld [tilespmem:s29+$0xFFFFFFD0];
	vm5 =	vmor vm4, vm0  }
.Ltmp5:
0xde: {  	[tilespmem:v12+s4+$0x0] =	vst.idx.add.f32.msk vm6, v8;
	v8 =	vperm.xlane v7, v1;
	(xrf2) =	vadd.scan.msk.f32 $0xffff, v13;
	v11, _, _ =	vpop (xrf2);
	(pc) =	sbr.rel @p1 .LBB2_9-.Ltmp5, $4  }
0xdf: {  	v12 =	vld [tilespmem:s28+$0xFFFFFFD0]  }
0xe0: {  	vm3 =	vne.s32 v7, v8;
	[tilespmem:v14+s4+$0x0] =	vst.idx.add.f32.msk vm9, v11;
	v14 =	vsub.f32 $0.0e+00, v11  }
0xe1: {  	v11 =	vld [tilespmem:s29+$0xFFFFFFC0];
	vm6 =	vmor vm3, vm0;
	(xrf2) =	vadd.scan.msk.f32 $0xffff, v16  }
0xe2: {  	[tilespmem:v15+s4+$0x0] =	vst.idx.add.f32.msk vm8, v14;
	v13, _, _ =	vpop (xrf2)  }
0xe3: {  	_ =	sdelay $0x1  }
0xe4: {  	(xrf2) =	vadd.scan.msk.f32 $0xffff, v12  }
0xe5: {  	(xrf2) =	vadd.scan.msk.f32 $0xffff, v5;
	v53 =	vperm.xlane v11, v1  }
0xe6: {  	v54 =	vperm.xlane v6, v1  }
0xe7: {  	v14 =	vsub.f32 $0.0e+00, v13;
	v55 =	vperm.xlane v2, v1;
	vm7 =	vne.s32 v11, v53  }
0xe8: {  	[tilespmem:v9+s4+$0x0] =	vst.idx.add.f32.msk vm5, v13;
	vm13 =	vne.s32 v6, v54;
	v56, _, _ =	vpop (xrf2);
	vm8 =	vmor vm7, vm0  }
0xe9: {  	[tilespmem:v10+s4+$0x0] =	vst.idx.add.f32.msk vm4, v14;
	vm15 =	vne.s32 v2, v55;
	vm14 =	vmor vm13, vm0;
	v57, _, _ =	vpop (xrf2)  }
0xea: {  	v58 =	vsub.f32 $0.0e+00, v56;
	[tilespmem:v3+s4+$0x0] =	vst.idx.add.f32.msk vm2, v57;
	vm2 =	vmor vm15, vm0  }
0xeb: {  	[tilespmem:v7+s4+$0x0] =	vst.idx.add.f32.msk vm6, v56;
	v3 =	vsub.f32 $0.0e+00, v57  }
0xec: {  	[tilespmem:v8+s4+$0x0] =	vst.idx.add.f32.msk vm3, v58  }
0xed: {  	v59, _, _ =	vpop (xrf2);
	[tilespmem:v4+s4+$0x0] =	vst.idx.add.f32.msk vm1, v3  }
0xee: {  	v60, _, _ =	vpop (xrf2);
	[tilespmem:v11+s4+$0x0] =	vst.idx.add.f32.msk vm8, v59  }
.Ltmp6:
0xef: {  	v63 =	vsub.f32 $0.0e+00, v59;
	[tilespmem:v6+s4+$0x0] =	vst.idx.add.f32.msk vm14, v60;
	v3, _, _ =	vpop (xrf2);
	(pc) =	sbr.rel @p0 .LBB2_12-.Ltmp6, $4  }
0xf0: {  	v61 =	vsub.f32 $0.0e+00, v60;
	[tilespmem:v2+s4+$0x0] =	vst.idx.add.f32.msk vm2, v3  }
0xf1: {  	v62 =	vsub.f32 $0.0e+00, v3;
	[tilespmem:v53+s4+$0x0] =	vst.idx.add.f32.msk vm7, v63  }
0xf2: {  	[tilespmem:v54+s4+$0x0] =	vst.idx.add.f32.msk vm13, v61  }
0xf3: {  	[tilespmem:v55+s4+$0x0] =	vst.idx.add.f32.msk vm15, v62  }
0xf4: {  	s26 =	smul.u32 $0x1F40, s25;
	_ =	sdelay $0x1  }
0xf5: {  	s26 =	sadd.s32 s26, s10  }
.Ltmp7:
0xf6: {  	s26 =	sshrl.u32 s26, $0x3;
	(pc) =	sbr.rel .LBB2_6-.Ltmp7, $4  }
0xf7: {  	s28 =	sadd.s32 s1, s26  }
0xf8: {  	[tilespmem:s15], [sflag:$0x2] =	stream.linear.gather [hbm4b:s28+s4], $0xFA0, $0x38;
	[tilespmem:$0x10380] =	vst v63  }
0xf9: {  	s25 =	sadd.s32 $0x1, s25;
	s26 =	sadd.s32 s3, s26  }
0xfa: {  	[tilespmem:s16], [sflag:$0x4] =	stream.linear.gather [hbm4b:s26+s4], $0xFA0, $0x38;
	[tilespmem:$0x10380] =	vst v63  }
.LBB2_13:
0xfb: {  	_ =	sfence.sel $0x180000  }
0xfc: {  	[bflag:$0x0] =	sbarrier.arrive $0xFFFF  }
0xfd: {  	p0 =	sne.s32 s0, $0x0;
	_ =	strace $0x90000047  }
0xfe: {  	s0 =	sadd.s32 @!p0 $0x100000, s2;
	[bflag:$0x2] =	sbarrier.arrive $0xFFFF  }
0xff: {  	[sflag:s0] =	ssyncadd.tile.s32 @!p0 $0x1;
	_ =	shalt  }
.Lfunc_end2:
_tile_overlayer_lowered:
.L_overlay_start_2:
0x100: {  	(tag) =	ssettag $0x2  }
0x101: {  	s0 =	rddreg [dreg:$0x0];
	s2 =	stileid.u32  }
0x102: {  	s1 =	rddreg [dreg:$0x1];
	p0 =	sne.s32 s2, $0x0  }
0x103: {  	s3 =	rddreg [dreg:$0x2];
	[bflag:$0x3] =	sbarrier.arrive $0xFFFF;
	s2 =	simm.s32 @!p0 $0x1C05  }
0x104: {  	[timem:s3], [sflag:s2] =	dma.local @!p0 [hbm:s0], s1  }
0x105: {  	s0 =	simm.s32 @!p0 $0x5  }
0x106: {  	_ =	swait.ge @!p0 [sflag:s0], s1  }
0x107: {  	s1 =	ssub.s32 @!p0 $0x0, s1;
	[sflag:s0] =	ssyncset.done @!p0 $0x0  }
0x108: {  	[sflag:s0] =	ssyncadd.s32 @!p0 s1  }
0x109: {  	[bflag:$0x3] =	sbarrier.arrive $0xFFFF  }
0x10a: {  	_ =	shalt  }

</sc_bundles>
